<compile_context>
chip_gen: v7x
topology: tpu7x:2x2x1
jax: 0.10.2.dev20260603
libtpu: 0.0.44.dev20260713+nightly
codegen_flags: <defaults>
</compile_context>

<pallas_src>
import functools

import jax
import jax.numpy as jnp
from jax import lax
from jax.experimental import pallas as pl
from jax.experimental.pallas import tpu as pltpu
from jax.experimental.pallas import tpu_sc as plsc

VOCAB = 1000
D_MODEL = 1024
BATCH = 16
SEQ = 2048
N_POS = BATCH * (SEQ - 1)
N_PAD = BATCH * SEQ

NC, NS, L = 1, 16, 16
NW = NC * NS
PER_W = N_PAD // NW
N_GATHER = PER_W // 128


K1_GRID = 2
K1_RB = 512


def _prep_body(emb_ref, w_ref, x_ref, d_ref, im_ref):
    a = emb_ref[...].astype(jnp.bfloat16)
    b = w_ref[...].astype(jnp.bfloat16)
    m = jnp.dot(a, b, preferred_element_type=jnp.float32)
    mx = jnp.max(m, axis=1, keepdims=True)
    s = jnp.sum(jnp.exp(m - mx), axis=1, keepdims=True)
    lse = jnp.log(s) + mx
    d_ref[...] = lse - m

    @pl.when(pl.program_id(0) == 0)
    def _():
        xv = x_ref[...]
        t = jnp.concatenate([xv[:, 1:], xv[:, :1]], axis=1)
        im_ref[...] = xv * VOCAB + t


_prep = pl.pallas_call(
    _prep_body,
    grid=(K1_GRID,),
    in_specs=[
        pl.BlockSpec((K1_RB, D_MODEL), lambda i: (i, 0)),
        pl.BlockSpec((D_MODEL, VOCAB), lambda i: (0, 0)),
        pl.BlockSpec((BATCH, SEQ), lambda i: (0, 0)),
    ],
    out_specs=(
        pl.BlockSpec((K1_RB, VOCAB), lambda i: (i, 0)),
        pl.BlockSpec((BATCH, SEQ), lambda i: (0, 0)),
    ),
    out_shape=(
        jax.ShapeDtypeStruct((VOCAB, VOCAB), jnp.float32),
        jax.ShapeDtypeStruct((BATCH, SEQ), jnp.int32),
    ),
)


@functools.cache
def _get_gather_nll():
    mesh = plsc.VectorSubcoreMesh(
        core_axis_name="c", subcore_axis_name="s", num_cores=NC)

    @functools.partial(
        pl.kernel,
        mesh=mesh,
        out_type=jax.ShapeDtypeStruct((NW, L), jnp.float32),
        scratch_types=[
            pltpu.VMEM((PER_W,), jnp.int32),
            pltpu.VMEM((PER_W,), jnp.float32),
            pltpu.VMEM((L,), jnp.float32),
            pltpu.SemaphoreType.DMA,
        ],
    )
    def _gather_nll(d_hbm, im_hbm, part_hbm, idx_m, val_m, accv, sem):
        wid = lax.axis_index("s") * NC + lax.axis_index("c")
        base = wid * PER_W
        pltpu.sync_copy(im_hbm.at[pl.ds(base, PER_W)], idx_m)

        copies = []
        for j in range(N_GATHER):
            sl = pl.ds(j * 128, 128)
            copies.append(
                pltpu.async_copy(d_hbm.at[idx_m.at[sl]], val_m.at[sl], sem))
        for cp in copies:
            cp.wait()

        def accum(c, acc):
            o = c * L
            gid = base + o + lax.iota(jnp.int32, L)
            d = val_m[pl.ds(o, L)]
            return acc + jnp.where((gid & (SEQ - 1)) != SEQ - 1, d, 0.0)

        acc = lax.fori_loop(0, PER_W // L, accum, jnp.zeros((L,), jnp.float32))
        accv[...] = acc
        pltpu.sync_copy(accv, part_hbm.at[wid])

    return _gather_nll


def _reduce_body(p_ref, out_ref):
    out_ref[0, 0] = jnp.sum(p_ref[...]) * (1.0 / N_POS)


_reduce = pl.pallas_call(
    _reduce_body,
    out_shape=jax.ShapeDtypeStruct((1, 1), jnp.float32),
    out_specs=pl.BlockSpec(memory_space=pltpu.SMEM),
)


def kernel(emb, w_out, x):
    d, idx_m = _prep(emb, w_out, x.astype(jnp.int32))
    partials = _get_gather_nll()(d.reshape(-1), idx_m.reshape(-1))
    return _reduce(partials)[0, 0]

# --- scband reference (transcript-rebuilt; emitter-appended) ---
"""Pipeline reference for scband-auto-regressive-wrapper-32933809225873 (READ-ONLY COPY).

The authoritative reference and input builder live on the scoring server;
editing this copy changes nothing except your own understanding.
"""

import jax, jax.numpy as jnp
import numpy as np

VOCAB = 1000
D_MODEL = 1024
BATCH = 16
SEQ = 2048


def setup_inputs(seed: int = 0) -> dict:
    key = jax.random.key(seed)
    k1, k2, k3 = jax.random.split(key, 3)
    x = jax.random.randint(k1, (BATCH, SEQ), 0, VOCAB, dtype=jnp.int32)
    # inner model parameters: token embedding + output projection (a minimal LM)
    emb = jax.random.normal(k2, (VOCAB, D_MODEL), dtype=jnp.float32) * 0.02
    w_out = jax.random.normal(k3, (D_MODEL, VOCAB), dtype=jnp.float32) * 0.02
    return {"emb": emb, "w_out": w_out, "x": x}


def reference(emb, w_out, x):
    # AutoRegressiveWrapper.forward: shift inputs/targets, run model, cross-entropy loss
    input_sequence = x[:, :-1]
    target_sequence = x[:, 1:]
    # inner model: embedding lookup (gather) -> output projection -> logits [B, S-1, V]
    h = jnp.take(emb, input_sequence, axis=0)
    logits = h @ w_out
    # F.cross_entropy(logits.transpose(1,2), target) == mean NLL over all positions
    logp = jax.nn.log_softmax(logits, axis=-1)
    nll = -jnp.take_along_axis(logp, target_sequence[..., None], axis=-1)[..., 0]
    loss = jnp.mean(nll)
    return loss

if __name__ == "__main__":
    import jax
    _d = setup_inputs()
    print(jax.jit(kernel)(*tuple(_d.values())))

</pallas_src>

<mosaic_0001>
#map = affine_map<(d0, d1) -> (0)>
#map1 = affine_map<(d0, d1) -> (0, 0)>
module attributes {stable_mosaic.version = 14 : i64} {
  func.func @_gather_nll(%arg0: i32, %arg1: i32, %arg2: memref<1000000xf32, #tpu.memory_space<hbm>>, %arg3: memref<32768xi32, #tpu.memory_space<hbm>>, %arg4: memref<16x16xf32, #tpu.memory_space<hbm>>, %arg5: memref<2048xi32, #tpu.memory_space<vmem>>, %arg6: memref<2048xf32, #tpu.memory_space<vmem>>, %arg7: memref<16xf32, #tpu.memory_space<vmem>>, %arg8: memref<!tpu.dma_semaphore, #tpu.memory_space<semaphore_mem>>) attributes {dimension_semantics = [#tpu.dimension_semantics<core_parallel>, #tpu.dimension_semantics<subcore_parallel>], iteration_bounds = array<i64: 1, 16>, scalar_prefetch = 0 : i64, scratch_operands = 4 : i64, tpu.core_type = #tpu.core_type<sc_vector_subcore>, window_params = [{transform_indices = #map}, {transform_indices = #map}, {transform_indices = #map1}]} {
    %mul3A = arith.constant 1 : i32
    %mul3A_0 = arith.muli %arg1, %mul3A : i32
    %add3A = arith.addi %mul3A_0, %arg0 : i32
    %mul3A_1 = arith.constant 2048 : i32
    %mul3A_2 = arith.muli %add3A, %mul3A_1 : i32
    "tpu.region"() ({
      %run_scoped3A = tpu.sem_alloc : memref<!tpu.dma_semaphore, #tpu.memory_space<semaphore_mem>>
      %dma_start3A_202 = tpu.memref_slice %arg3[%mul3A_2] : memref<32768xi32, #tpu.memory_space<hbm>> -> memref<2048xi32, #tpu.memory_space<hbm>>
      %dma_start3A_203 = tpu.memref_slice %arg3[%mul3A_2] : memref<32768xi32, #tpu.memory_space<hbm>> -> memref<2048xi32, #tpu.memory_space<hbm>>
      tpu.enqueue_dma source(%dma_start3A_203 : memref<2048xi32, #tpu.memory_space<hbm>>) target(%arg5 : memref<2048xi32, #tpu.memory_space<vmem>>) target_semaphore(%run_scoped3A : memref<!tpu.dma_semaphore, #tpu.memory_space<semaphore_mem>>)
      %dma_wait3A_204 = tpu.memref_slice %arg3[%mul3A_2] : memref<32768xi32, #tpu.memory_space<hbm>> -> memref<2048xi32, #tpu.memory_space<hbm>>
      %dma_wait3A_205 = tpu.memref_slice %arg3[%mul3A_2] : memref<32768xi32, #tpu.memory_space<hbm>> -> memref<2048xi32, #tpu.memory_space<hbm>>
      tpu.wait_dma2 semaphore(%run_scoped3A : memref<!tpu.dma_semaphore, #tpu.memory_space<semaphore_mem>>) src(%dma_wait3A_205 : memref<2048xi32, #tpu.memory_space<hbm>>) dst(%arg5 : memref<2048xi32, #tpu.memory_space<vmem>>)
      tpu.yield
    }) : () -> ()
    %dma_start3A = arith.constant 0 : i32
    %dma_start3A_3 = tpu.memref_slice %arg6[%dma_start3A] : memref<2048xf32, #tpu.memory_space<vmem>> -> memref<128xf32, #tpu.memory_space<vmem>>
    %dma_start3A_4 = arith.constant 0 : i32
    %dma_start3A_5 = tpu.memref_slice %arg5[%dma_start3A_4] : memref<2048xi32, #tpu.memory_space<vmem>> -> memref<128xi32, #tpu.memory_space<vmem>>
    %dma_start3A_6 = arith.constant 0 : i32
    %dma_start3A_7 = tpu.memref_slice %arg2[%dma_start3A_6] : memref<1000000xf32, #tpu.memory_space<hbm>> -> memref<1000000xf32, #tpu.memory_space<hbm>>
    tpu.enqueue_indirect_dma source(%dma_start3A_7 : memref<1000000xf32, #tpu.memory_space<hbm>>) target(%dma_start3A_3 : memref<128xf32, #tpu.memory_space<vmem>>) offsets(%dma_start3A_5 : memref<128xi32, #tpu.memory_space<vmem>>) semaphore(%arg8 : memref<!tpu.dma_semaphore, #tpu.memory_space<semaphore_mem>>)
    %dma_start3A_8 = arith.constant 128 : i32
    %dma_start3A_9 = tpu.memref_slice %arg6[%dma_start3A_8] : memref<2048xf32, #tpu.memory_space<vmem>> -> memref<128xf32, #tpu.memory_space<vmem>>
    %dma_start3A_10 = arith.constant 128 : i32
    %dma_start3A_11 = tpu.memref_slice %arg5[%dma_start3A_10] : memref<2048xi32, #tpu.memory_space<vmem>> -> memref<128xi32, #tpu.memory_space<vmem>>
    %dma_start3A_12 = arith.constant 0 : i32
    %dma_start3A_13 = tpu.memref_slice %arg2[%dma_start3A_12] : memref<1000000xf32, #tpu.memory_space<hbm>> -> memref<1000000xf32, #tpu.memory_space<hbm>>
    tpu.enqueue_indirect_dma source(%dma_start3A_13 : memref<1000000xf32, #tpu.memory_space<hbm>>) target(%dma_start3A_9 : memref<128xf32, #tpu.memory_space<vmem>>) offsets(%dma_start3A_11 : memref<128xi32, #tpu.memory_space<vmem>>) semaphore(%arg8 : memref<!tpu.dma_semaphore, #tpu.memory_space<semaphore_mem>>)
    %dma_start3A_14 = arith.constant 256 : i32
    %dma_start3A_15 = tpu.memref_slice %arg6[%dma_start3A_14] : memref<2048xf32, #tpu.memory_space<vmem>> -> memref<128xf32, #tpu.memory_space<vmem>>
    %dma_start3A_16 = arith.constant 256 : i32
    %dma_start3A_17 = tpu.memref_slice %arg5[%dma_start3A_16] : memref<2048xi32, #tpu.memory_space<vmem>> -> memref<128xi32, #tpu.memory_space<vmem>>
    %dma_start3A_18 = arith.constant 0 : i32
    %dma_start3A_19 = tpu.memref_slice %arg2[%dma_start3A_18] : memref<1000000xf32, #tpu.memory_space<hbm>> -> memref<1000000xf32, #tpu.memory_space<hbm>>
    tpu.enqueue_indirect_dma source(%dma_start3A_19 : memref<1000000xf32, #tpu.memory_space<hbm>>) target(%dma_start3A_15 : memref<128xf32, #tpu.memory_space<vmem>>) offsets(%dma_start3A_17 : memref<128xi32, #tpu.memory_space<vmem>>) semaphore(%arg8 : memref<!tpu.dma_semaphore, #tpu.memory_space<semaphore_mem>>)
    %dma_start3A_20 = arith.constant 384 : i32
    %dma_start3A_21 = tpu.memref_slice %arg6[%dma_start3A_20] : memref<2048xf32, #tpu.memory_space<vmem>> -> memref<128xf32, #tpu.memory_space<vmem>>
    %dma_start3A_22 = arith.constant 384 : i32
    %dma_start3A_23 = tpu.memref_slice %arg5[%dma_start3A_22] : memref<2048xi32, #tpu.memory_space<vmem>> -> memref<128xi32, #tpu.memory_space<vmem>>
    %dma_start3A_24 = arith.constant 0 : i32
    %dma_start3A_25 = tpu.memref_slice %arg2[%dma_start3A_24] : memref<1000000xf32, #tpu.memory_space<hbm>> -> memref<1000000xf32, #tpu.memory_space<hbm>>
    tpu.enqueue_indirect_dma source(%dma_start3A_25 : memref<1000000xf32, #tpu.memory_space<hbm>>) target(%dma_start3A_21 : memref<128xf32, #tpu.memory_space<vmem>>) offsets(%dma_start3A_23 : memref<128xi32, #tpu.memory_space<vmem>>) semaphore(%arg8 : memref<!tpu.dma_semaphore, #tpu.memory_space<semaphore_mem>>)
    %dma_start3A_26 = arith.constant 512 : i32
    %dma_start3A_27 = tpu.memref_slice %arg6[%dma_start3A_26] : memref<2048xf32, #tpu.memory_space<vmem>> -> memref<128xf32, #tpu.memory_space<vmem>>
    %dma_start3A_28 = arith.constant 512 : i32
    %dma_start3A_29 = tpu.memref_slice %arg5[%dma_start3A_28] : memref<2048xi32, #tpu.memory_space<vmem>> -> memref<128xi32, #tpu.memory_space<vmem>>
    %dma_start3A_30 = arith.constant 0 : i32
    %dma_start3A_31 = tpu.memref_slice %arg2[%dma_start3A_30] : memref<1000000xf32, #tpu.memory_space<hbm>> -> memref<1000000xf32, #tpu.memory_space<hbm>>
    tpu.enqueue_indirect_dma source(%dma_start3A_31 : memref<1000000xf32, #tpu.memory_space<hbm>>) target(%dma_start3A_27 : memref<128xf32, #tpu.memory_space<vmem>>) offsets(%dma_start3A_29 : memref<128xi32, #tpu.memory_space<vmem>>) semaphore(%arg8 : memref<!tpu.dma_semaphore, #tpu.memory_space<semaphore_mem>>)
    %dma_start3A_32 = arith.constant 640 : i32
    %dma_start3A_33 = tpu.memref_slice %arg6[%dma_start3A_32] : memref<2048xf32, #tpu.memory_space<vmem>> -> memref<128xf32, #tpu.memory_space<vmem>>
    %dma_start3A_34 = arith.constant 640 : i32
    %dma_start3A_35 = tpu.memref_slice %arg5[%dma_start3A_34] : memref<2048xi32, #tpu.memory_space<vmem>> -> memref<128xi32, #tpu.memory_space<vmem>>
    %dma_start3A_36 = arith.constant 0 : i32
    %dma_start3A_37 = tpu.memref_slice %arg2[%dma_start3A_36] : memref<1000000xf32, #tpu.memory_space<hbm>> -> memref<1000000xf32, #tpu.memory_space<hbm>>
    tpu.enqueue_indirect_dma source(%dma_start3A_37 : memref<1000000xf32, #tpu.memory_space<hbm>>) target(%dma_start3A_33 : memref<128xf32, #tpu.memory_space<vmem>>) offsets(%dma_start3A_35 : memref<128xi32, #tpu.memory_space<vmem>>) semaphore(%arg8 : memref<!tpu.dma_semaphore, #tpu.memory_space<semaphore_mem>>)
    %dma_start3A_38 = arith.constant 768 : i32
    %dma_start3A_39 = tpu.memref_slice %arg6[%dma_start3A_38] : memref<2048xf32, #tpu.memory_space<vmem>> -> memref<128xf32, #tpu.memory_space<vmem>>
    %dma_start3A_40 = arith.constant 768 : i32
    %dma_start3A_41 = tpu.memref_slice %arg5[%dma_start3A_40] : memref<2048xi32, #tpu.memory_space<vmem>> -> memref<128xi32, #tpu.memory_space<vmem>>
    %dma_start3A_42 = arith.constant 0 : i32
    %dma_start3A_43 = tpu.memref_slice %arg2[%dma_start3A_42] : memref<1000000xf32, #tpu.memory_space<hbm>> -> memref<1000000xf32, #tpu.memory_space<hbm>>
    tpu.enqueue_indirect_dma source(%dma_start3A_43 : memref<1000000xf32, #tpu.memory_space<hbm>>) target(%dma_start3A_39 : memref<128xf32, #tpu.memory_space<vmem>>) offsets(%dma_start3A_41 : memref<128xi32, #tpu.memory_space<vmem>>) semaphore(%arg8 : memref<!tpu.dma_semaphore, #tpu.memory_space<semaphore_mem>>)
    %dma_start3A_44 = arith.constant 896 : i32
    %dma_start3A_45 = tpu.memref_slice %arg6[%dma_start3A_44] : memref<2048xf32, #tpu.memory_space<vmem>> -> memref<128xf32, #tpu.memory_space<vmem>>
    %dma_start3A_46 = arith.constant 896 : i32
    %dma_start3A_47 = tpu.memref_slice %arg5[%dma_start3A_46] : memref<2048xi32, #tpu.memory_space<vmem>> -> memref<128xi32, #tpu.memory_space<vmem>>
    %dma_start3A_48 = arith.constant 0 : i32
    %dma_start3A_49 = tpu.memref_slice %arg2[%dma_start3A_48] : memref<1000000xf32, #tpu.memory_space<hbm>> -> memref<1000000xf32, #tpu.memory_space<hbm>>
    tpu.enqueue_indirect_dma source(%dma_start3A_49 : memref<1000000xf32, #tpu.memory_space<hbm>>) target(%dma_start3A_45 : memref<128xf32, #tpu.memory_space<vmem>>) offsets(%dma_start3A_47 : memref<128xi32, #tpu.memory_space<vmem>>) semaphore(%arg8 : memref<!tpu.dma_semaphore, #tpu.memory_space<semaphore_mem>>)
    %dma_start3A_50 = arith.constant 1024 : i32
    %dma_start3A_51 = tpu.memref_slice %arg6[%dma_start3A_50] : memref<2048xf32, #tpu.memory_space<vmem>> -> memref<128xf32, #tpu.memory_space<vmem>>
    %dma_start3A_52 = arith.constant 1024 : i32
    %dma_start3A_53 = tpu.memref_slice %arg5[%dma_start3A_52] : memref<2048xi32, #tpu.memory_space<vmem>> -> memref<128xi32, #tpu.memory_space<vmem>>
    %dma_start3A_54 = arith.constant 0 : i32
    %dma_start3A_55 = tpu.memref_slice %arg2[%dma_start3A_54] : memref<1000000xf32, #tpu.memory_space<hbm>> -> memref<1000000xf32, #tpu.memory_space<hbm>>
    tpu.enqueue_indirect_dma source(%dma_start3A_55 : memref<1000000xf32, #tpu.memory_space<hbm>>) target(%dma_start3A_51 : memref<128xf32, #tpu.memory_space<vmem>>) offsets(%dma_start3A_53 : memref<128xi32, #tpu.memory_space<vmem>>) semaphore(%arg8 : memref<!tpu.dma_semaphore, #tpu.memory_space<semaphore_mem>>)
    %dma_start3A_56 = arith.constant 1152 : i32
    %dma_start3A_57 = tpu.memref_slice %arg6[%dma_start3A_56] : memref<2048xf32, #tpu.memory_space<vmem>> -> memref<128xf32, #tpu.memory_space<vmem>>
    %dma_start3A_58 = arith.constant 1152 : i32
    %dma_start3A_59 = tpu.memref_slice %arg5[%dma_start3A_58] : memref<2048xi32, #tpu.memory_space<vmem>> -> memref<128xi32, #tpu.memory_space<vmem>>
    %dma_start3A_60 = arith.constant 0 : i32
    %dma_start3A_61 = tpu.memref_slice %arg2[%dma_start3A_60] : memref<1000000xf32, #tpu.memory_space<hbm>> -> memref<1000000xf32, #tpu.memory_space<hbm>>
    tpu.enqueue_indirect_dma source(%dma_start3A_61 : memref<1000000xf32, #tpu.memory_space<hbm>>) target(%dma_start3A_57 : memref<128xf32, #tpu.memory_space<vmem>>) offsets(%dma_start3A_59 : memref<128xi32, #tpu.memory_space<vmem>>) semaphore(%arg8 : memref<!tpu.dma_semaphore, #tpu.memory_space<semaphore_mem>>)
    %dma_start3A_62 = arith.constant 1280 : i32
    %dma_start3A_63 = tpu.memref_slice %arg6[%dma_start3A_62] : memref<2048xf32, #tpu.memory_space<vmem>> -> memref<128xf32, #tpu.memory_space<vmem>>
    %dma_start3A_64 = arith.constant 1280 : i32
    %dma_start3A_65 = tpu.memref_slice %arg5[%dma_start3A_64] : memref<2048xi32, #tpu.memory_space<vmem>> -> memref<128xi32, #tpu.memory_space<vmem>>
    %dma_start3A_66 = arith.constant 0 : i32
    %dma_start3A_67 = tpu.memref_slice %arg2[%dma_start3A_66] : memref<1000000xf32, #tpu.memory_space<hbm>> -> memref<1000000xf32, #tpu.memory_space<hbm>>
    tpu.enqueue_indirect_dma source(%dma_start3A_67 : memref<1000000xf32, #tpu.memory_space<hbm>>) target(%dma_start3A_63 : memref<128xf32, #tpu.memory_space<vmem>>) offsets(%dma_start3A_65 : memref<128xi32, #tpu.memory_space<vmem>>) semaphore(%arg8 : memref<!tpu.dma_semaphore, #tpu.memory_space<semaphore_mem>>)
    %dma_start3A_68 = arith.constant 1408 : i32
    %dma_start3A_69 = tpu.memref_slice %arg6[%dma_start3A_68] : memref<2048xf32, #tpu.memory_space<vmem>> -> memref<128xf32, #tpu.memory_space<vmem>>
    %dma_start3A_70 = arith.constant 1408 : i32
    %dma_start3A_71 = tpu.memref_slice %arg5[%dma_start3A_70] : memref<2048xi32, #tpu.memory_space<vmem>> -> memref<128xi32, #tpu.memory_space<vmem>>
    %dma_start3A_72 = arith.constant 0 : i32
    %dma_start3A_73 = tpu.memref_slice %arg2[%dma_start3A_72] : memref<1000000xf32, #tpu.memory_space<hbm>> -> memref<1000000xf32, #tpu.memory_space<hbm>>
    tpu.enqueue_indirect_dma source(%dma_start3A_73 : memref<1000000xf32, #tpu.memory_space<hbm>>) target(%dma_start3A_69 : memref<128xf32, #tpu.memory_space<vmem>>) offsets(%dma_start3A_71 : memref<128xi32, #tpu.memory_space<vmem>>) semaphore(%arg8 : memref<!tpu.dma_semaphore, #tpu.memory_space<semaphore_mem>>)
    %dma_start3A_74 = arith.constant 1536 : i32
    %dma_start3A_75 = tpu.memref_slice %arg6[%dma_start3A_74] : memref<2048xf32, #tpu.memory_space<vmem>> -> memref<128xf32, #tpu.memory_space<vmem>>
    %dma_start3A_76 = arith.constant 1536 : i32
    %dma_start3A_77 = tpu.memref_slice %arg5[%dma_start3A_76] : memref<2048xi32, #tpu.memory_space<vmem>> -> memref<128xi32, #tpu.memory_space<vmem>>
    %dma_start3A_78 = arith.constant 0 : i32
    %dma_start3A_79 = tpu.memref_slice %arg2[%dma_start3A_78] : memref<1000000xf32, #tpu.memory_space<hbm>> -> memref<1000000xf32, #tpu.memory_space<hbm>>
    tpu.enqueue_indirect_dma source(%dma_start3A_79 : memref<1000000xf32, #tpu.memory_space<hbm>>) target(%dma_start3A_75 : memref<128xf32, #tpu.memory_space<vmem>>) offsets(%dma_start3A_77 : memref<128xi32, #tpu.memory_space<vmem>>) semaphore(%arg8 : memref<!tpu.dma_semaphore, #tpu.memory_space<semaphore_mem>>)
    %dma_start3A_80 = arith.constant 1664 : i32
    %dma_start3A_81 = tpu.memref_slice %arg6[%dma_start3A_80] : memref<2048xf32, #tpu.memory_space<vmem>> -> memref<128xf32, #tpu.memory_space<vmem>>
    %dma_start3A_82 = arith.constant 1664 : i32
    %dma_start3A_83 = tpu.memref_slice %arg5[%dma_start3A_82] : memref<2048xi32, #tpu.memory_space<vmem>> -> memref<128xi32, #tpu.memory_space<vmem>>
    %dma_start3A_84 = arith.constant 0 : i32
    %dma_start3A_85 = tpu.memref_slice %arg2[%dma_start3A_84] : memref<1000000xf32, #tpu.memory_space<hbm>> -> memref<1000000xf32, #tpu.memory_space<hbm>>
    tpu.enqueue_indirect_dma source(%dma_start3A_85 : memref<1000000xf32, #tpu.memory_space<hbm>>) target(%dma_start3A_81 : memref<128xf32, #tpu.memory_space<vmem>>) offsets(%dma_start3A_83 : memref<128xi32, #tpu.memory_space<vmem>>) semaphore(%arg8 : memref<!tpu.dma_semaphore, #tpu.memory_space<semaphore_mem>>)
    %dma_start3A_86 = arith.constant 1792 : i32
    %dma_start3A_87 = tpu.memref_slice %arg6[%dma_start3A_86] : memref<2048xf32, #tpu.memory_space<vmem>> -> memref<128xf32, #tpu.memory_space<vmem>>
    %dma_start3A_88 = arith.constant 1792 : i32
    %dma_start3A_89 = tpu.memref_slice %arg5[%dma_start3A_88] : memref<2048xi32, #tpu.memory_space<vmem>> -> memref<128xi32, #tpu.memory_space<vmem>>
    %dma_start3A_90 = arith.constant 0 : i32
    %dma_start3A_91 = tpu.memref_slice %arg2[%dma_start3A_90] : memref<1000000xf32, #tpu.memory_space<hbm>> -> memref<1000000xf32, #tpu.memory_space<hbm>>
    tpu.enqueue_indirect_dma source(%dma_start3A_91 : memref<1000000xf32, #tpu.memory_space<hbm>>) target(%dma_start3A_87 : memref<128xf32, #tpu.memory_space<vmem>>) offsets(%dma_start3A_89 : memref<128xi32, #tpu.memory_space<vmem>>) semaphore(%arg8 : memref<!tpu.dma_semaphore, #tpu.memory_space<semaphore_mem>>)
    %dma_start3A_92 = arith.constant 1920 : i32
    %dma_start3A_93 = tpu.memref_slice %arg6[%dma_start3A_92] : memref<2048xf32, #tpu.memory_space<vmem>> -> memref<128xf32, #tpu.memory_space<vmem>>
    %dma_start3A_94 = arith.constant 1920 : i32
    %dma_start3A_95 = tpu.memref_slice %arg5[%dma_start3A_94] : memref<2048xi32, #tpu.memory_space<vmem>> -> memref<128xi32, #tpu.memory_space<vmem>>
    %dma_start3A_96 = arith.constant 0 : i32
    %dma_start3A_97 = tpu.memref_slice %arg2[%dma_start3A_96] : memref<1000000xf32, #tpu.memory_space<hbm>> -> memref<1000000xf32, #tpu.memory_space<hbm>>
    tpu.enqueue_indirect_dma source(%dma_start3A_97 : memref<1000000xf32, #tpu.memory_space<hbm>>) target(%dma_start3A_93 : memref<128xf32, #tpu.memory_space<vmem>>) offsets(%dma_start3A_95 : memref<128xi32, #tpu.memory_space<vmem>>) semaphore(%arg8 : memref<!tpu.dma_semaphore, #tpu.memory_space<semaphore_mem>>)
    %dma_wait3A = arith.constant 0 : i32
    %dma_wait3A_98 = tpu.memref_slice %arg6[%dma_wait3A] : memref<2048xf32, #tpu.memory_space<vmem>> -> memref<128xf32, #tpu.memory_space<vmem>>
    %dma_wait3A_99 = arith.constant 0 : i32
    %dma_wait3A_100 = tpu.memref_slice %arg5[%dma_wait3A_99] : memref<2048xi32, #tpu.memory_space<vmem>> -> memref<128xi32, #tpu.memory_space<vmem>>
    %dma_wait3A_101 = arith.constant 0 : i32
    %dma_wait3A_102 = tpu.memref_slice %arg2[%dma_wait3A_101] : memref<1000000xf32, #tpu.memory_space<hbm>> -> memref<1000000xf32, #tpu.memory_space<hbm>>
    tpu.wait_indirect_dma semaphore(%arg8 : memref<!tpu.dma_semaphore, #tpu.memory_space<semaphore_mem>>) src(%dma_wait3A_102 : memref<1000000xf32, #tpu.memory_space<hbm>>) dst(%dma_wait3A_98 : memref<128xf32, #tpu.memory_space<vmem>>)
    %dma_wait3A_103 = arith.constant 128 : i32
    %dma_wait3A_104 = tpu.memref_slice %arg6[%dma_wait3A_103] : memref<2048xf32, #tpu.memory_space<vmem>> -> memref<128xf32, #tpu.memory_space<vmem>>
    %dma_wait3A_105 = arith.constant 128 : i32
    %dma_wait3A_106 = tpu.memref_slice %arg5[%dma_wait3A_105] : memref<2048xi32, #tpu.memory_space<vmem>> -> memref<128xi32, #tpu.memory_space<vmem>>
    %dma_wait3A_107 = arith.constant 0 : i32
    %dma_wait3A_108 = tpu.memref_slice %arg2[%dma_wait3A_107] : memref<1000000xf32, #tpu.memory_space<hbm>> -> memref<1000000xf32, #tpu.memory_space<hbm>>
    tpu.wait_indirect_dma semaphore(%arg8 : memref<!tpu.dma_semaphore, #tpu.memory_space<semaphore_mem>>) src(%dma_wait3A_108 : memref<1000000xf32, #tpu.memory_space<hbm>>) dst(%dma_wait3A_104 : memref<128xf32, #tpu.memory_space<vmem>>)
    %dma_wait3A_109 = arith.constant 256 : i32
    %dma_wait3A_110 = tpu.memref_slice %arg6[%dma_wait3A_109] : memref<2048xf32, #tpu.memory_space<vmem>> -> memref<128xf32, #tpu.memory_space<vmem>>
    %dma_wait3A_111 = arith.constant 256 : i32
    %dma_wait3A_112 = tpu.memref_slice %arg5[%dma_wait3A_111] : memref<2048xi32, #tpu.memory_space<vmem>> -> memref<128xi32, #tpu.memory_space<vmem>>
    %dma_wait3A_113 = arith.constant 0 : i32
    %dma_wait3A_114 = tpu.memref_slice %arg2[%dma_wait3A_113] : memref<1000000xf32, #tpu.memory_space<hbm>> -> memref<1000000xf32, #tpu.memory_space<hbm>>
    tpu.wait_indirect_dma semaphore(%arg8 : memref<!tpu.dma_semaphore, #tpu.memory_space<semaphore_mem>>) src(%dma_wait3A_114 : memref<1000000xf32, #tpu.memory_space<hbm>>) dst(%dma_wait3A_110 : memref<128xf32, #tpu.memory_space<vmem>>)
    %dma_wait3A_115 = arith.constant 384 : i32
    %dma_wait3A_116 = tpu.memref_slice %arg6[%dma_wait3A_115] : memref<2048xf32, #tpu.memory_space<vmem>> -> memref<128xf32, #tpu.memory_space<vmem>>
    %dma_wait3A_117 = arith.constant 384 : i32
    %dma_wait3A_118 = tpu.memref_slice %arg5[%dma_wait3A_117] : memref<2048xi32, #tpu.memory_space<vmem>> -> memref<128xi32, #tpu.memory_space<vmem>>
    %dma_wait3A_119 = arith.constant 0 : i32
    %dma_wait3A_120 = tpu.memref_slice %arg2[%dma_wait3A_119] : memref<1000000xf32, #tpu.memory_space<hbm>> -> memref<1000000xf32, #tpu.memory_space<hbm>>
    tpu.wait_indirect_dma semaphore(%arg8 : memref<!tpu.dma_semaphore, #tpu.memory_space<semaphore_mem>>) src(%dma_wait3A_120 : memref<1000000xf32, #tpu.memory_space<hbm>>) dst(%dma_wait3A_116 : memref<128xf32, #tpu.memory_space<vmem>>)
    %dma_wait3A_121 = arith.constant 512 : i32
    %dma_wait3A_122 = tpu.memref_slice %arg6[%dma_wait3A_121] : memref<2048xf32, #tpu.memory_space<vmem>> -> memref<128xf32, #tpu.memory_space<vmem>>
    %dma_wait3A_123 = arith.constant 512 : i32
    %dma_wait3A_124 = tpu.memref_slice %arg5[%dma_wait3A_123] : memref<2048xi32, #tpu.memory_space<vmem>> -> memref<128xi32, #tpu.memory_space<vmem>>
    %dma_wait3A_125 = arith.constant 0 : i32
    %dma_wait3A_126 = tpu.memref_slice %arg2[%dma_wait3A_125] : memref<1000000xf32, #tpu.memory_space<hbm>> -> memref<1000000xf32, #tpu.memory_space<hbm>>
    tpu.wait_indirect_dma semaphore(%arg8 : memref<!tpu.dma_semaphore, #tpu.memory_space<semaphore_mem>>) src(%dma_wait3A_126 : memref<1000000xf32, #tpu.memory_space<hbm>>) dst(%dma_wait3A_122 : memref<128xf32, #tpu.memory_space<vmem>>)
    %dma_wait3A_127 = arith.constant 640 : i32
    %dma_wait3A_128 = tpu.memref_slice %arg6[%dma_wait3A_127] : memref<2048xf32, #tpu.memory_space<vmem>> -> memref<128xf32, #tpu.memory_space<vmem>>
    %dma_wait3A_129 = arith.constant 640 : i32
    %dma_wait3A_130 = tpu.memref_slice %arg5[%dma_wait3A_129] : memref<2048xi32, #tpu.memory_space<vmem>> -> memref<128xi32, #tpu.memory_space<vmem>>
    %dma_wait3A_131 = arith.constant 0 : i32
    %dma_wait3A_132 = tpu.memref_slice %arg2[%dma_wait3A_131] : memref<1000000xf32, #tpu.memory_space<hbm>> -> memref<1000000xf32, #tpu.memory_space<hbm>>
    tpu.wait_indirect_dma semaphore(%arg8 : memref<!tpu.dma_semaphore, #tpu.memory_space<semaphore_mem>>) src(%dma_wait3A_132 : memref<1000000xf32, #tpu.memory_space<hbm>>) dst(%dma_wait3A_128 : memref<128xf32, #tpu.memory_space<vmem>>)
    %dma_wait3A_133 = arith.constant 768 : i32
    %dma_wait3A_134 = tpu.memref_slice %arg6[%dma_wait3A_133] : memref<2048xf32, #tpu.memory_space<vmem>> -> memref<128xf32, #tpu.memory_space<vmem>>
    %dma_wait3A_135 = arith.constant 768 : i32
    %dma_wait3A_136 = tpu.memref_slice %arg5[%dma_wait3A_135] : memref<2048xi32, #tpu.memory_space<vmem>> -> memref<128xi32, #tpu.memory_space<vmem>>
    %dma_wait3A_137 = arith.constant 0 : i32
    %dma_wait3A_138 = tpu.memref_slice %arg2[%dma_wait3A_137] : memref<1000000xf32, #tpu.memory_space<hbm>> -> memref<1000000xf32, #tpu.memory_space<hbm>>
    tpu.wait_indirect_dma semaphore(%arg8 : memref<!tpu.dma_semaphore, #tpu.memory_space<semaphore_mem>>) src(%dma_wait3A_138 : memref<1000000xf32, #tpu.memory_space<hbm>>) dst(%dma_wait3A_134 : memref<128xf32, #tpu.memory_space<vmem>>)
    %dma_wait3A_139 = arith.constant 896 : i32
    %dma_wait3A_140 = tpu.memref_slice %arg6[%dma_wait3A_139] : memref<2048xf32, #tpu.memory_space<vmem>> -> memref<128xf32, #tpu.memory_space<vmem>>
    %dma_wait3A_141 = arith.constant 896 : i32
    %dma_wait3A_142 = tpu.memref_slice %arg5[%dma_wait3A_141] : memref<2048xi32, #tpu.memory_space<vmem>> -> memref<128xi32, #tpu.memory_space<vmem>>
    %dma_wait3A_143 = arith.constant 0 : i32
    %dma_wait3A_144 = tpu.memref_slice %arg2[%dma_wait3A_143] : memref<1000000xf32, #tpu.memory_space<hbm>> -> memref<1000000xf32, #tpu.memory_space<hbm>>
    tpu.wait_indirect_dma semaphore(%arg8 : memref<!tpu.dma_semaphore, #tpu.memory_space<semaphore_mem>>) src(%dma_wait3A_144 : memref<1000000xf32, #tpu.memory_space<hbm>>) dst(%dma_wait3A_140 : memref<128xf32, #tpu.memory_space<vmem>>)
    %dma_wait3A_145 = arith.constant 1024 : i32
    %dma_wait3A_146 = tpu.memref_slice %arg6[%dma_wait3A_145] : memref<2048xf32, #tpu.memory_space<vmem>> -> memref<128xf32, #tpu.memory_space<vmem>>
    %dma_wait3A_147 = arith.constant 1024 : i32
    %dma_wait3A_148 = tpu.memref_slice %arg5[%dma_wait3A_147] : memref<2048xi32, #tpu.memory_space<vmem>> -> memref<128xi32, #tpu.memory_space<vmem>>
    %dma_wait3A_149 = arith.constant 0 : i32
    %dma_wait3A_150 = tpu.memref_slice %arg2[%dma_wait3A_149] : memref<1000000xf32, #tpu.memory_space<hbm>> -> memref<1000000xf32, #tpu.memory_space<hbm>>
    tpu.wait_indirect_dma semaphore(%arg8 : memref<!tpu.dma_semaphore, #tpu.memory_space<semaphore_mem>>) src(%dma_wait3A_150 : memref<1000000xf32, #tpu.memory_space<hbm>>) dst(%dma_wait3A_146 : memref<128xf32, #tpu.memory_space<vmem>>)
    %dma_wait3A_151 = arith.constant 1152 : i32
    %dma_wait3A_152 = tpu.memref_slice %arg6[%dma_wait3A_151] : memref<2048xf32, #tpu.memory_space<vmem>> -> memref<128xf32, #tpu.memory_space<vmem>>
    %dma_wait3A_153 = arith.constant 1152 : i32
    %dma_wait3A_154 = tpu.memref_slice %arg5[%dma_wait3A_153] : memref<2048xi32, #tpu.memory_space<vmem>> -> memref<128xi32, #tpu.memory_space<vmem>>
    %dma_wait3A_155 = arith.constant 0 : i32
    %dma_wait3A_156 = tpu.memref_slice %arg2[%dma_wait3A_155] : memref<1000000xf32, #tpu.memory_space<hbm>> -> memref<1000000xf32, #tpu.memory_space<hbm>>
    tpu.wait_indirect_dma semaphore(%arg8 : memref<!tpu.dma_semaphore, #tpu.memory_space<semaphore_mem>>) src(%dma_wait3A_156 : memref<1000000xf32, #tpu.memory_space<hbm>>) dst(%dma_wait3A_152 : memref<128xf32, #tpu.memory_space<vmem>>)
    %dma_wait3A_157 = arith.constant 1280 : i32
    %dma_wait3A_158 = tpu.memref_slice %arg6[%dma_wait3A_157] : memref<2048xf32, #tpu.memory_space<vmem>> -> memref<128xf32, #tpu.memory_space<vmem>>
    %dma_wait3A_159 = arith.constant 1280 : i32
    %dma_wait3A_160 = tpu.memref_slice %arg5[%dma_wait3A_159] : memref<2048xi32, #tpu.memory_space<vmem>> -> memref<128xi32, #tpu.memory_space<vmem>>
    %dma_wait3A_161 = arith.constant 0 : i32
    %dma_wait3A_162 = tpu.memref_slice %arg2[%dma_wait3A_161] : memref<1000000xf32, #tpu.memory_space<hbm>> -> memref<1000000xf32, #tpu.memory_space<hbm>>
    tpu.wait_indirect_dma semaphore(%arg8 : memref<!tpu.dma_semaphore, #tpu.memory_space<semaphore_mem>>) src(%dma_wait3A_162 : memref<1000000xf32, #tpu.memory_space<hbm>>) dst(%dma_wait3A_158 : memref<128xf32, #tpu.memory_space<vmem>>)
    %dma_wait3A_163 = arith.constant 1408 : i32
    %dma_wait3A_164 = tpu.memref_slice %arg6[%dma_wait3A_163] : memref<2048xf32, #tpu.memory_space<vmem>> -> memref<128xf32, #tpu.memory_space<vmem>>
    %dma_wait3A_165 = arith.constant 1408 : i32
    %dma_wait3A_166 = tpu.memref_slice %arg5[%dma_wait3A_165] : memref<2048xi32, #tpu.memory_space<vmem>> -> memref<128xi32, #tpu.memory_space<vmem>>
    %dma_wait3A_167 = arith.constant 0 : i32
    %dma_wait3A_168 = tpu.memref_slice %arg2[%dma_wait3A_167] : memref<1000000xf32, #tpu.memory_space<hbm>> -> memref<1000000xf32, #tpu.memory_space<hbm>>
    tpu.wait_indirect_dma semaphore(%arg8 : memref<!tpu.dma_semaphore, #tpu.memory_space<semaphore_mem>>) src(%dma_wait3A_168 : memref<1000000xf32, #tpu.memory_space<hbm>>) dst(%dma_wait3A_164 : memref<128xf32, #tpu.memory_space<vmem>>)
    %dma_wait3A_169 = arith.constant 1536 : i32
    %dma_wait3A_170 = tpu.memref_slice %arg6[%dma_wait3A_169] : memref<2048xf32, #tpu.memory_space<vmem>> -> memref<128xf32, #tpu.memory_space<vmem>>
    %dma_wait3A_171 = arith.constant 1536 : i32
    %dma_wait3A_172 = tpu.memref_slice %arg5[%dma_wait3A_171] : memref<2048xi32, #tpu.memory_space<vmem>> -> memref<128xi32, #tpu.memory_space<vmem>>
    %dma_wait3A_173 = arith.constant 0 : i32
    %dma_wait3A_174 = tpu.memref_slice %arg2[%dma_wait3A_173] : memref<1000000xf32, #tpu.memory_space<hbm>> -> memref<1000000xf32, #tpu.memory_space<hbm>>
    tpu.wait_indirect_dma semaphore(%arg8 : memref<!tpu.dma_semaphore, #tpu.memory_space<semaphore_mem>>) src(%dma_wait3A_174 : memref<1000000xf32, #tpu.memory_space<hbm>>) dst(%dma_wait3A_170 : memref<128xf32, #tpu.memory_space<vmem>>)
    %dma_wait3A_175 = arith.constant 1664 : i32
    %dma_wait3A_176 = tpu.memref_slice %arg6[%dma_wait3A_175] : memref<2048xf32, #tpu.memory_space<vmem>> -> memref<128xf32, #tpu.memory_space<vmem>>
    %dma_wait3A_177 = arith.constant 1664 : i32
    %dma_wait3A_178 = tpu.memref_slice %arg5[%dma_wait3A_177] : memref<2048xi32, #tpu.memory_space<vmem>> -> memref<128xi32, #tpu.memory_space<vmem>>
    %dma_wait3A_179 = arith.constant 0 : i32
    %dma_wait3A_180 = tpu.memref_slice %arg2[%dma_wait3A_179] : memref<1000000xf32, #tpu.memory_space<hbm>> -> memref<1000000xf32, #tpu.memory_space<hbm>>
    tpu.wait_indirect_dma semaphore(%arg8 : memref<!tpu.dma_semaphore, #tpu.memory_space<semaphore_mem>>) src(%dma_wait3A_180 : memref<1000000xf32, #tpu.memory_space<hbm>>) dst(%dma_wait3A_176 : memref<128xf32, #tpu.memory_space<vmem>>)
    %dma_wait3A_181 = arith.constant 1792 : i32
    %dma_wait3A_182 = tpu.memref_slice %arg6[%dma_wait3A_181] : memref<2048xf32, #tpu.memory_space<vmem>> -> memref<128xf32, #tpu.memory_space<vmem>>
    %dma_wait3A_183 = arith.constant 1792 : i32
    %dma_wait3A_184 = tpu.memref_slice %arg5[%dma_wait3A_183] : memref<2048xi32, #tpu.memory_space<vmem>> -> memref<128xi32, #tpu.memory_space<vmem>>
    %dma_wait3A_185 = arith.constant 0 : i32
    %dma_wait3A_186 = tpu.memref_slice %arg2[%dma_wait3A_185] : memref<1000000xf32, #tpu.memory_space<hbm>> -> memref<1000000xf32, #tpu.memory_space<hbm>>
    tpu.wait_indirect_dma semaphore(%arg8 : memref<!tpu.dma_semaphore, #tpu.memory_space<semaphore_mem>>) src(%dma_wait3A_186 : memref<1000000xf32, #tpu.memory_space<hbm>>) dst(%dma_wait3A_182 : memref<128xf32, #tpu.memory_space<vmem>>)
    %dma_wait3A_187 = arith.constant 1920 : i32
    %dma_wait3A_188 = tpu.memref_slice %arg6[%dma_wait3A_187] : memref<2048xf32, #tpu.memory_space<vmem>> -> memref<128xf32, #tpu.memory_space<vmem>>
    %dma_wait3A_189 = arith.constant 1920 : i32
    %dma_wait3A_190 = tpu.memref_slice %arg5[%dma_wait3A_189] : memref<2048xi32, #tpu.memory_space<vmem>> -> memref<128xi32, #tpu.memory_space<vmem>>
    %dma_wait3A_191 = arith.constant 0 : i32
    %dma_wait3A_192 = tpu.memref_slice %arg2[%dma_wait3A_191] : memref<1000000xf32, #tpu.memory_space<hbm>> -> memref<1000000xf32, #tpu.memory_space<hbm>>
    tpu.wait_indirect_dma semaphore(%arg8 : memref<!tpu.dma_semaphore, #tpu.memory_space<semaphore_mem>>) src(%dma_wait3A_192 : memref<1000000xf32, #tpu.memory_space<hbm>>) dst(%dma_wait3A_188 : memref<128xf32, #tpu.memory_space<vmem>>)
    %broadcast_in_dim3A = arith.constant 0.000000e+00 : f32
    %broadcast_in_dim3A_193 = vector.broadcast %broadcast_in_dim3A : f32 to vector<16xf32>
    %scan3A = arith.constant 0 : i32
    %scan3A_194 = arith.constant 128 : i32
    %scan3A_195 = arith.addi %scan3A, %scan3A_194 : i32
    %scan3A_196 = arith.constant 1 : i32
    %scan3A_197 = scf.for %scan3A_202 = %scan3A to %scan3A_195 step %scan3A_196 iter_args(%scan3A_203 = %broadcast_in_dim3A_193) -> (vector<16xf32>)  : i32 {
      %mul3A_204 = arith.constant 16 : i32
      %mul3A_205 = arith.muli %scan3A_202, %mul3A_204 : i32
      %add3A_206 = arith.addi %mul3A_2, %mul3A_205 : i32
      %iota3A = tpu.iota {dimensions = array<i32: 0>} : vector<16xi32>
      %add3A_207 = vector.broadcast %add3A_206 : i32 to vector<16xi32>
      %add3A_208 = arith.addi %add3A_207, %iota3A : vector<16xi32>
      %get3A = arith.index_cast %mul3A_205 : i32 to index
      %get3A_209 = tpu.vector_load %arg6[%get3A] {strides = array<i32>} : memref<2048xf32, #tpu.memory_space<vmem>>, vector<16xf32>,
      %get3A_210 = vector.shape_cast %get3A_209 : vector<16xf32> to vector<16xf32>
      %and3A = arith.constant 2047 : i32
      %and3A_211 = vector.broadcast %and3A : i32 to vector<16xi32>
      %and3A_212 = arith.andi %add3A_208, %and3A_211 : vector<16xi32>
      %ne3A = arith.constant 2047 : i32
      %ne3A_213 = vector.broadcast %ne3A : i32 to vector<16xi32>
      %ne3A_214 = arith.cmpi ne, %and3A_212, %ne3A_213 : vector<16xi32>
      %jit3A = arith.constant 0.000000e+00 : f32
      %broadcast_in_dim3A_215 = vector.broadcast %jit3A : f32 to vector<16xf32>
      %select_n3A = arith.select %ne3A_214, %get3A_210, %broadcast_in_dim3A_215 : vector<16xi1>, vector<16xf32>
      %add3A_216 = arith.addf %scan3A_203, %select_n3A : vector<16xf32>
      scf.yield %add3A_216 : vector<16xf32>
    }
    %scan3A_198 = arith.constant 128 : i32
    %swap3A = arith.constant 0 : index
    %swap3A_199 = tpu.vector_load %arg7[%swap3A] {strides = array<i32>} : memref<16xf32, #tpu.memory_space<vmem>>, vector<16xf32>,
    %swap3A_200 = vector.shape_cast %swap3A_199 : vector<16xf32> to vector<16xf32>
    %swap3A_201 = vector.shape_cast %scan3A_197 : vector<16xf32> to vector<16xf32>
    tpu.vector_store %arg7[%swap3A], %swap3A_201 {strides = array<i32>} : memref<16xf32, #tpu.memory_space<vmem>>, vector<16xf32>,
    "tpu.region"() ({
      %run_scoped3A = tpu.sem_alloc : memref<!tpu.dma_semaphore, #tpu.memory_space<semaphore_mem>>
      %dma_start3A_202 = arith.constant 0 : i32
      %dma_start3A_203 = tpu.memref_slice %arg4[%add3A, %dma_start3A_202] : memref<16x16xf32, #tpu.memory_space<hbm>> -> memref<1x16xf32, #tpu.memory_space<hbm>>
      %dma_start3A_204 = tpu.memref_squeeze %dma_start3A_203 : memref<1x16xf32, #tpu.memory_space<hbm>> -> memref<16xf32, #tpu.memory_space<hbm>>
      %dma_start3A_205 = arith.constant 0 : i32
      %dma_start3A_206 = tpu.memref_slice %arg4[%add3A, %dma_start3A_205] : memref<16x16xf32, #tpu.memory_space<hbm>> -> memref<1x16xf32, #tpu.memory_space<hbm>>
      %dma_start3A_207 = tpu.memref_squeeze %dma_start3A_206 : memref<1x16xf32, #tpu.memory_space<hbm>> -> memref<16xf32, #tpu.memory_space<hbm>>
      tpu.enqueue_dma source(%arg7 : memref<16xf32, #tpu.memory_space<vmem>>) target(%dma_start3A_207 : memref<16xf32, #tpu.memory_space<hbm>>) target_semaphore(%run_scoped3A : memref<!tpu.dma_semaphore, #tpu.memory_space<semaphore_mem>>)
      %dma_wait3A_208 = arith.constant 0 : i32
      %dma_wait3A_209 = tpu.memref_slice %arg4[%add3A, %dma_wait3A_208] : memref<16x16xf32, #tpu.memory_space<hbm>> -> memref<1x16xf32, #tpu.memory_space<hbm>>
      %dma_wait3A_210 = tpu.memref_squeeze %dma_wait3A_209 : memref<1x16xf32, #tpu.memory_space<hbm>> -> memref<16xf32, #tpu.memory_space<hbm>>
      %dma_wait3A_211 = arith.constant 0 : i32
      %dma_wait3A_212 = tpu.memref_slice %arg4[%add3A, %dma_wait3A_211] : memref<16x16xf32, #tpu.memory_space<hbm>> -> memref<1x16xf32, #tpu.memory_space<hbm>>
      %dma_wait3A_213 = tpu.memref_squeeze %dma_wait3A_212 : memref<1x16xf32, #tpu.memory_space<hbm>> -> memref<16xf32, #tpu.memory_space<hbm>>
      tpu.wait_dma2 semaphore(%run_scoped3A : memref<!tpu.dma_semaphore, #tpu.memory_space<semaphore_mem>>) src(%arg7 : memref<16xf32, #tpu.memory_space<vmem>>) dst(%dma_wait3A_213 : memref<16xf32, #tpu.memory_space<hbm>>)
      tpu.yield
    }) : () -> ()
    return
  }
}

module attributes {stable_mosaic.version = 14 : i64} {
  func.func @_prep_body(%arg0: i32, %arg1: memref<512x1024xf32, #tpu.memory_space<vmem>>, %arg2: memref<1024x1000xf32, #tpu.memory_space<vmem>>, %arg3: memref<16x2048xi32, #tpu.memory_space<vmem>>, %arg4: memref<512x1000xf32, #tpu.memory_space<vmem>>, %arg5: memref<16x2048xi32, #tpu.memory_space<vmem>>) attributes {dimension_semantics = [#tpu.dimension_semantics<arbitrary>], iteration_bounds = array<i64: 2>, scalar_prefetch = 0 : i64, scratch_operands = 0 : i64, tpu.core_type = #tpu.core_type<tc>, window_params = [{transform_indices = @transform_0, window_bounds = array<i64: 512, 1024>}, {pipeline_mode = #tpu.pipeline_mode<synchronous>, transform_indices = @transform_1, window_bounds = array<i64: 1024, 1000>}, {pipeline_mode = #tpu.pipeline_mode<synchronous>, transform_indices = @transform_2, window_bounds = array<i64: 16, 2048>}, {transform_indices = @transform_3, window_bounds = array<i64: 512, 1000>}, {pipeline_mode = #tpu.pipeline_mode<synchronous>, transform_indices = @transform_4, window_bounds = array<i64: 16, 2048>}]} {
    %get3A = arith.constant 0 : index
    %get3A_0 = arith.constant 0 : index
    %get3A_1 = vector.load %arg1[%get3A, %get3A_0] : memref<512x1024xf32, #tpu.memory_space<vmem>>, vector<512x1024xf32>
    %convert_element_type3A = arith.truncf %get3A_1 : vector<512x1024xf32> to vector<512x1024xbf16>
    %get3A_2 = arith.constant 0 : index
    %get3A_3 = arith.constant 0 : index
    %get3A_4 = vector.load %arg2[%get3A_2, %get3A_3] : memref<1024x1000xf32, #tpu.memory_space<vmem>>, vector<1024x1000xf32>
    %convert_element_type3A_5 = arith.truncf %get3A_4 : vector<1024x1000xf32> to vector<1024x1000xbf16>
    %dot_general3A = arith.constant dense<0.000000e+00> : vector<512x1000xf32>
    %dot_general3A_6 = tpu.matmul %convert_element_type3A, %convert_element_type3A_5, %dot_general3A {dimension_numbers = #tpu.dot_dimension_numbers<[1], [0], [0], [1], [0, 0, 1, 1], [], []>, transpose_lhs_hint = false} : vector<512x1024xbf16>, vector<1024x1000xbf16>, vector<512x1000xf32> -> vector<512x1000xf32>
    %reduce_max3A = arith.constant dense<0xFF800000> : vector<512xf32>
    %reduce_max3A_7 = vector.multi_reduction <maximumf>, %dot_general3A_6, %reduce_max3A [1] : vector<512x1000xf32> to vector<512xf32>
    %broadcast_in_dim3A = vector.shape_cast %reduce_max3A_7 : vector<512xf32> to vector<512x1xf32>
    %sub3A = vector.broadcast %broadcast_in_dim3A : vector<512x1xf32> to vector<512x1000xf32>
    %sub3A_8 = arith.subf %dot_general3A_6, %sub3A : vector<512x1000xf32>
    %exp3A = math.exp %sub3A_8 : vector<512x1000xf32>
    %reduce_sum3A = arith.constant dense<0.000000e+00> : vector<512xf32>
    %reduce_sum3A_9 = vector.multi_reduction <add>, %exp3A, %reduce_sum3A [1] : vector<512x1000xf32> to vector<512xf32>
    %broadcast_in_dim3A_10 = vector.shape_cast %reduce_sum3A_9 : vector<512xf32> to vector<512x1xf32>
    %log3A = math.log %broadcast_in_dim3A_10 : vector<512x1xf32>
    %add3A = arith.addf %log3A, %broadcast_in_dim3A : vector<512x1xf32>
    %sub3A_11 = vector.broadcast %add3A : vector<512x1xf32> to vector<512x1000xf32>
    %sub3A_12 = arith.subf %sub3A_11, %dot_general3A_6 : vector<512x1000xf32>
    %swap3A = arith.constant 0 : index
    %swap3A_13 = arith.constant 0 : index
    %swap3A_14 = vector.load %arg4[%swap3A, %swap3A_13] : memref<512x1000xf32, #tpu.memory_space<vmem>>, vector<512x1000xf32>
    tpu.vector_store %arg4[%swap3A, %swap3A_13], %sub3A_12 {strides = array<i32>} : memref<512x1000xf32, #tpu.memory_space<vmem>>, vector<512x1000xf32>,
    %eq3A = arith.constant 0 : i32
    %eq3A_15 = arith.cmpi eq, %arg0, %eq3A : i32
    %convert_element_type3A_16 = arith.extui %eq3A_15 : i1 to i32
    %cond3A = arith.constant 0 : i32
    %cond3A_17 = arith.cmpi ne, %convert_element_type3A_16, %cond3A : i32
    scf.if %cond3A_17 {
      %get3A_18 = arith.constant 0 : index
      %get3A_19 = arith.constant 0 : index
      %get3A_20 = vector.load %arg3[%get3A_18, %get3A_19] : memref<16x2048xi32, #tpu.memory_space<vmem>>, vector<16x2048xi32>
      %slice3A = vector.extract_strided_slice %get3A_20 {offsets = [0, 1], sizes = [16, 2047], strides = [1, 1]} : vector<16x2048xi32> to vector<16x2047xi32>
      %slice3A_21 = vector.extract_strided_slice %get3A_20 {offsets = [0, 0], sizes = [16, 1], strides = [1, 1]} : vector<16x2048xi32> to vector<16x1xi32>
      %concatenate3A = tpu.concatenate %slice3A, %slice3A_21 in 1 : vector<16x2047xi32>, vector<16x1xi32> -> vector<16x2048xi32>
      %mul3A = arith.constant 1000 : i32
      %mul3A_22 = vector.broadcast %mul3A : i32 to vector<16x2048xi32>
      %mul3A_23 = arith.muli %get3A_20, %mul3A_22 : vector<16x2048xi32>
      %add3A_24 = arith.addi %mul3A_23, %concatenate3A : vector<16x2048xi32>
      %swap3A_25 = arith.constant 0 : index
      %swap3A_26 = arith.constant 0 : index
      %swap3A_27 = vector.load %arg5[%swap3A_25, %swap3A_26] : memref<16x2048xi32, #tpu.memory_space<vmem>>, vector<16x2048xi32>
      tpu.vector_store %arg5[%swap3A_25, %swap3A_26], %add3A_24 {strides = array<i32>} : memref<16x2048xi32, #tpu.memory_space<vmem>>, vector<16x2048xi32>,
    } else {
    }
    return
  }
  func.func @transform_0(%arg0: i32) -> (i32, i32) {
    %c0_i32 = arith.constant 0 : i32
    %c0_i32_0 = arith.constant 0 : i32
    return %arg0, %c0_i32 : i32, i32
  }
  func.func @transform_1(%arg0: i32) -> (i32, i32) {
    %c0_i32 = arith.constant 0 : i32
    %c0_i32_0 = arith.constant 0 : i32
    %c0_i32_1 = arith.constant 0 : i32
    return %c0_i32, %c0_i32_0 : i32, i32
  }
  func.func @transform_2(%arg0: i32) -> (i32, i32) {
    %c0_i32 = arith.constant 0 : i32
    %c0_i32_0 = arith.constant 0 : i32
    %c0_i32_1 = arith.constant 0 : i32
    return %c0_i32, %c0_i32_0 : i32, i32
  }
  func.func @transform_3(%arg0: i32) -> (i32, i32) {
    %c0_i32 = arith.constant 0 : i32
    %c0_i32_0 = arith.constant 0 : i32
    return %arg0, %c0_i32 : i32, i32
  }
  func.func @transform_4(%arg0: i32) -> (i32, i32) {
    %c0_i32 = arith.constant 0 : i32
    %c0_i32_0 = arith.constant 0 : i32
    %c0_i32_1 = arith.constant 0 : i32
    return %c0_i32, %c0_i32_0 : i32, i32
  }
}

module attributes {stable_mosaic.version = 14 : i64} {
  func.func @_reduce_body(%arg0: memref<16x16xf32, #tpu.memory_space<vmem>>, %arg1: memref<1x1xf32, #tpu.memory_space<smem>>) attributes {dimension_semantics = [], scalar_prefetch = 0 : i64, scratch_operands = 0 : i64, tpu.core_type = #tpu.core_type<tc>} {
    %get3A = arith.constant 0 : index
    %get3A_0 = arith.constant 0 : index
    %get3A_1 = vector.load %arg0[%get3A, %get3A_0] : memref<16x16xf32, #tpu.memory_space<vmem>>, vector<16x16xf32>
    %reduce_sum3A = vector.shape_cast %get3A_1 : vector<16x16xf32> to vector<1x16x16xf32>
    %reduce_sum3A_2 = arith.constant dense<0.000000e+00> : vector<1xf32>
    %reduce_sum3A_3 = vector.multi_reduction <add>, %reduce_sum3A, %reduce_sum3A_2 [1, 2] : vector<1x16x16xf32> to vector<1xf32>
    %reduce_sum3A_4 = vector.shape_cast %reduce_sum3A_3 : vector<1xf32> to vector<1x1x1xf32>
    %reduce_sum3A_5 = vector.extract %reduce_sum3A_4[0, 0, 0] : f32 from vector<1x1x1xf32>
    %mul3A = arith.constant 3.05324866E-5 : f32
    %mul3A_6 = arith.mulf %reduce_sum3A_5, %mul3A : f32
    %swap3A = arith.constant 0 : index
    %swap3A_7 = arith.constant 0 : index
    %swap3A_8 = memref.load %arg1[%swap3A, %swap3A_7] : memref<1x1xf32, #tpu.memory_space<smem>>
    memref.store %mul3A_6, %arg1[%swap3A, %swap3A_7] : memref<1x1xf32, #tpu.memory_space<smem>>
    return
  }
}

</mosaic_0001>

<sc_bundles>
// kernel: kernel.5.cloned.1.call-start
scs
__scs_entry_jumppad:
0x0: {  	(pc) =	sbr.rel $0x88, $3  }
0x1: {  	(tag) =	ssettag $0x0;
	lr =	simm.s32 $0x1  }
0x2: {  	[smem:$0x3F9E] =	sst lr;
	_ =	strace $0xD0000000  }
0x3: {  	_ = 	snop  }
0x4: {  	_ = 	snop  }
0x5: {  	_ = 	snop  }
0x6: {  	_ = 	snop  }
0x7: {  	_ = 	snop  }
__scs_overlays_trampoline_lowered:
0x8: {  	[smem:$0x3FAD] =	sst s0  }
0x9: {  	[smem:$0x3FAE] =	sst s1  }
0xa: {  	[smem:$0x3FAF] =	sst s2  }
0xb: {  	[smem:$0x3FB0] =	sst s3  }
0xc: {  	[smem:$0x3FB1] =	sst s4  }
0xd: {  	[smem:$0x3FB2] =	sst s5  }
0xe: {  	[smem:$0x3FB3] =	sst s6  }
0xf: {  	[smem:$0x3FB4] =	sst s7  }
0x10: {  	[smem:$0x3FB5] =	sst s8  }
0x11: {  	[smem:$0x3FB6] =	sst s9;
	s0 =	simm.s32 @!p0 $0x0  }
0x12: {  	s1 =	sld [smem:$0x3F9C];
	s0 =	simm.s32 @p0 $0x1  }
0x13: {  	[smem:$0x3FB7] =	sst s0;
	s0 =	simm.s32 @!p1 $0x0  }
0x14: {  	s2 =	sld [smem:$0x3F9B];
	s0 =	simm.s32 @p1 $0x1  }
0x15: {  	[smem:$0x3FB8] =	sst s0;
	s0 =	simm.s32 @!p2 $0x0  }
0x16: {  	s3 =	sld [smem:$0x3FDB];
	s0 =	simm.s32 @p2 $0x1  }
0x17: {  	s4 =	simm.s32 $0x1BF5;
	[smem:$0x3FBA] =	sst s0  }
0x18: {  	s0 =	sld [smem:$0x3F9D];
	_ =	swait.ge [sflag:s4], $0x0  }
0x19: {  	s7 =	sld [smem:$0x3F9E]  }
0x1a: {  	s8 =	sadd.s32 $0xFFFFE003, lr  }
0x1b: {  	s9 =	sadd.s32 $0xFFFFFEF7, lr;
	s5 =	simm.s32 $0xFFFFFFFF;
	p2 =	slt.u32 s8, $0xFFFFF086  }
0x1c: {  	p1 =	slt.u32 s9, $0xF7A;
	s5 =	simm.s32 @!p2 $0x0  }
0x1d: {  	s5 =	simm.s32 @p1 $0x1;
	p0 =	seq.s32 s7, s2  }
0x1e: {  	s7 =	smul.u32 @!p0 $0xF7A, s2;
	p2 =	seq.s32 @!p0 s5, $0x0  }
0x1f: {  	s9 =	smul.u32 $0xF7A, s1;
	s8 =	simm.s32 @!p0 $0x1BF5;
	p2 =	por !p2, p0  }
0x20: {  	[sflag:s8] =	ssyncset.s32 @!p0 $0xFFFFF086;
	s6 =	sadd.s32 @!p0 s3, s7;
	s7 =	simm.s32 @!p0 $0x108  }
0x21: {  	s3 =	sadd.s32 s3, s9;
	s6 =	sadd.s32 @!p0 $0x88, s6;
	s7 =	simm.s32 @p2 $0x1082  }
0x22: {  	[simem:s7], [sflag:s8] =	dma.local @!p0 [hbm:s6], $0xF7A  }
0x23: {  	s9 =	sor.u32 $0xD0000000, s2;
	s6 =	simm.s32 $0x108;
	_ =	swait.ge @!p0 [sflag:s8], $0x0  }
0x24: {  	s3 =	sadd.s32 $0x88, s3;
	s6 =	simm.s32 @!p1 $0x1082;
	[sflag:s4] =	ssyncset.s32 $0xFFFFF086  }
0x25: {  	[simem:s6], [sflag:s4] =	dma.local [hbm:s3], $0xF7A  }
0x26: {  	[smem:$0x3F9E] =	sst s1;
	(tag) =	ssettag s2;
	_ =	strace s9  }
0x27: {  	s1 =	sld [smem:$0x3FAE]  }
0x28: {  	s2 =	sld [smem:$0x3FAF]  }
0x29: {  	s4 =	sld [smem:$0x3FB1]  }
0x2a: {  	p0 =	seq.s32 s5, $0x0;
	s5 =	sld [smem:$0x3FB2]  }
0x2b: {  	s6 =	sld [smem:$0x3FB3]  }
0x2c: {  	s7 =	sld [smem:$0x3FB4]  }
0x2d: {  	s3 =	simm.s32 $0x108;
	s8 =	sld [smem:$0x3FB5]  }
0x2e: {  	s3 =	simm.s32 @!p0 $0x1082;
	s9 =	sld [smem:$0x3FB6]  }
0x2f: {  	lr =	sadd.s32 s0, s3;
	s0 =	sld [smem:$0x3FAD]  }
0x30: {  	s3 =	sld [smem:$0x3FB0]  }
0x31: {  	[smem:$0x3FB9] =	sst s10  }
0x32: {  	s10 =	sld [smem:$0x3FB7];
	_ =	sdelay $0x3  }
0x33: {  	p0 =	seq.s32 s10, $0x1;
	s10 =	sld [smem:$0x3FB9];
	_ =	sdelay $0x3  }
0x34: {  	[smem:$0x3FB9] =	sst s10  }
0x35: {  	s10 =	sld [smem:$0x3FB8];
	_ =	sdelay $0x3  }
0x36: {  	p1 =	seq.s32 s10, $0x1;
	s10 =	sld [smem:$0x3FB9];
	_ =	sdelay $0x3  }
0x37: {  	[smem:$0x3FB9] =	sst s10  }
0x38: {  	s10 =	sld [smem:$0x3FBA]  }
0x39: {  	_ = 	snop;
	(pc) =	sbr.ind lr, $3  }
0x3a: {  	_ = 	snop  }
0x3b: {  	_ = 	snop  }
0x3c: {  	p2 =	seq.s32 s10, $0x1;
	s10 =	sld [smem:$0x3FB9]  }
0x3d: {  	_ =	shalt  }
0x3e: {  	_ =	shalt  }
0x3f: {  	_ =	shalt  }
0x40: {  	_ =	shalt  }
0x41: {  	_ =	shalt  }
0x42: {  	_ =	shalt  }
0x43: {  	_ =	shalt  }
0x44: {  	_ =	shalt  }
0x45: {  	_ =	shalt  }
0x46: {  	_ =	shalt  }
0x47: {  	_ =	shalt  }
0x48: {  	_ =	shalt  }
0x49: {  	_ =	shalt  }
0x4a: {  	_ =	shalt  }
0x4b: {  	_ =	shalt  }
0x4c: {  	_ =	shalt  }
0x4d: {  	_ =	shalt  }
0x4e: {  	_ =	shalt  }
0x4f: {  	_ =	shalt  }
0x50: {  	_ =	shalt  }
0x51: {  	_ =	shalt  }
0x52: {  	_ =	shalt  }
0x53: {  	_ =	shalt  }
0x54: {  	_ =	shalt  }
0x55: {  	_ =	shalt  }
0x56: {  	_ =	shalt  }
0x57: {  	_ =	shalt  }
0x58: {  	_ =	shalt  }
0x59: {  	_ =	shalt  }
0x5a: {  	_ =	shalt  }
0x5b: {  	_ =	shalt  }
0x5c: {  	_ =	shalt  }
0x5d: {  	_ =	shalt  }
0x5e: {  	_ =	shalt  }
0x5f: {  	_ =	shalt  }
0x60: {  	_ =	shalt  }
0x61: {  	_ =	shalt  }
0x62: {  	_ =	shalt  }
0x63: {  	_ =	shalt  }
0x64: {  	_ =	shalt  }
0x65: {  	_ =	shalt  }
0x66: {  	_ =	shalt  }
0x67: {  	_ =	shalt  }
0x68: {  	_ =	shalt  }
0x69: {  	_ =	shalt  }
0x6a: {  	_ =	shalt  }
0x6b: {  	_ =	shalt  }
0x6c: {  	_ =	shalt  }
0x6d: {  	_ =	shalt  }
0x6e: {  	_ =	shalt  }
0x6f: {  	_ =	shalt  }
0x70: {  	_ =	shalt  }
0x71: {  	_ =	shalt  }
0x72: {  	_ =	shalt  }
0x73: {  	_ =	shalt  }
0x74: {  	_ =	shalt  }
0x75: {  	_ =	shalt  }
0x76: {  	_ =	shalt  }
0x77: {  	_ =	shalt  }
0x78: {  	_ =	shalt  }
0x79: {  	_ =	shalt  }
0x7a: {  	_ =	shalt  }
0x7b: {  	_ =	shalt  }
0x7c: {  	_ =	shalt  }
0x7d: {  	_ =	shalt  }
0x7e: {  	_ =	shalt  }
0x7f: {  	_ =	shalt  }
0x80: {  	_ =	shalt  }
0x81: {  	_ =	shalt  }
0x82: {  	_ =	shalt  }
0x83: {  	_ =	shalt  }
0x84: {  	_ =	shalt  }
0x85: {  	_ =	shalt  }
0x86: {  	_ =	shalt  }
0x87: {  	_ =	shalt  }
.Lfunc_end0:
.L_simem_size_0:
called_computation_lowered:
.L_overlay_start_0:
0x88: {  	s0 =	sld [smem:$0x3FD9]  }
0x89: {  	s1 =	sld [smem:$0x3FFE];
	_ =	sdelay $0x3  }
0x8a: {  	s0 =	sadd.s32 s1, s0  }
0x8b: {  	[smem:$0x3FC5] =	sst s0  }
0x8c: {  	_ = 	snop  }
0x8d: {  	(tm) =	ssettm $0x1  }
0x8e: {  	s15 =	sld [smem:$0x3FFB];
	_ =	sdelay $0x3  }
0x8f: {  	_ =	strace s15  }
0x90: {  	s0 =	sld [smem:$0x3FFC];
	_ =	sdelay $0x3  }
0x91: {  	_ =	strace s0  }
0x92: {  	s0 =	sld [smem:$0x3FFD];
	_ =	sdelay $0x3  }
0x93: {  	_ =	strace s0  }
0x94: {  	_ =	strace $0x8FFFFFFF  }
0x95: {  	s16 =	sld [smem:$0x3FDB];
	_ =	sdelay $0x1  }
0x96: {  	s17 =	simm.s32 $_scs_section_size  }
0x97: {  	s2 =	simm.s32 $_size__tile_overlayer_lowered;
	s3 =	simm.s32 $_tile_overlayer_lowered  }
0x98: {  	s20 =	simm.s32 $0x1BFF;
	s19 =	sshll.u32 s3, $0x1;
	s0 =	sadd.s32 s17, s16  }
0x99: {  	s4 =	simm.s32 $0x0;
	s18 =	sshll.u32 s2, $0x1;
	s2 =	sadd.s32 s19, s0  }
0x9a: {  	[timem:s4], [sflag:s20] =	dma.local [hbm:s2], s18  }
0x9b: {  	_ =	swait.ge [sflag:s20], s18  }
0x9c: {  	s1 =	ssub.s32 $0x0, s18;
	[sflag:s20] =	ssyncset.done $0x0  }
0x9d: {  	[sflag:s20] =	ssyncadd.s32 s1;
	_ =	sdelay $0x1  }
0x9e: {  	s21 =	simm.s32 $0x1B8B  }
0x9f: {  	_ =	swait.ge [sflag:s21], $0x1  }
0xa0: {  	[sflag:s21] =	ssyncset.done $0x0  }
0xa1: {  	s23 =	simm.s32 $0x1B8E;
	s22 =	sld [smem:$0x3FFE];
	[sflag:s21] =	ssyncadd.s32 $0xFFFFFFFF  }
0xa2: {  	s24 =	simm.s32 $execute0_lowered;
	[smem:$0x3FD2] =	sst s23  }
0xa3: {  	s2 =	sshll.u32 s24, $0x1;
	_ =	strace $0x80000046;
	[dreg:$0x1] =	wrdreg $0xFFFFFFFF  }
0xa4: {  	s25 =	simm.s32 $_size_execute0_lowered;
	s0 =	sadd.s32 s0, s2;
	[dreg:$0x0] =	wrdreg $0x0  }
0xa5: {  	s2 =	sshll.u32 s25, $0x1;
	[dreg:$0x2] =	wrdreg s0  }
0xa6: {  	[dreg:$0x3] =	wrdreg s2  }
0xa7: {  	[dreg:$0x4] =	wrdreg $0xC0  }
0xa8: {  	_ =	task [dreg:s4], $0x5FFFF  }
0xa9: {  	[dreg:$0x1] =	wrdreg $0xFFFFFFFF  }
0xaa: {  	[dreg:$0x0] =	wrdreg $0x60  }
0xab: {  	[dreg:$0x2] =	wrdreg s22  }
0xac: {  	[dreg:$0x3] =	wrdreg $0x9  }
0xad: {  	_ =	task.clear_ibuf [dreg:s4], $0x4FFFF;
	_ =	strace $0x90000046  }
0xae: {  	s26 =	simm.s32 $0x9;
	_ =	strace $0x80000048  }
0xaf: {  	_ =	swait.ge [sflag:s26], $0x1  }
0xb0: {  	[sflag:s26] =	ssyncadd.s32 $0xFFFFFFFF  }
0xb1: {  	_ =	strace $0x90000048  }
0xb2: {  	_ =	sfence  }
0xb3: {  	s28 =	sld [smem:$0x0];
	_ =	sdelay $0x1  }
0xb4: {  	s29 =	srdreg.scid  }
0xb5: {  	s30 =	sshll.u32 s29, $0xD;
	s31 =	sshrl.u32 s29, $0x2  }
0xb6: {  	s1 =	sand.u32 $0x1, s29;
	s2 =	sand.u32 $0x4000, s30;
	s0 =	sadd.s32 s31, s28  }
0xb7: {  	s1 =	sor.u32 s2, s1;
	s0 =	sshll.u32 s0, $0x11  }
0xb8: {  	s0 =	sor.u32 s0, s1  }
0xb9: {  	s0 =	sadd.s32 $0x8F2B, s0  }
0xba: {  	[sflag:s0] =	ssyncadd.remote.s32 $0x1  }
0xbb: {  	_ =	sfence.sel $0xFFFF  }
0xbc: {  	[dreg:$0x0] =	wrdreg $0xFFFFFFFF;
	(pc) =	sbr.abs _section_cstart, $3  }
0xbd: {  	[dreg:$0x1] =	wrdreg $0xFFFFFFFF  }
0xbe: {  	_ =	task.clear_ibuf [dreg:s4], $0x2FFFF;
	_ =	strace $0x9FFFFFFF  }
0xbf: {  	(tm) =	ssettm $0x7FFFFFFF  }
tec
execute0_lowered:
.L_overlay_start_1:
0x0: {  	(tag) =	ssettag $0x1  }
0x1: {  	s2 =	rddreg [dreg:$0x0];
	s1 =	stileid.u32  }
0x2: {  	s0 =	rddreg [dreg:$0x1];
	s3 =	simm.s32 $0x0;
	s4 =	sshll.u32 s1, $0x8  }
0x3: {  	[smem:$0x7FF] =	sst s3;
	s4 =	sadd.s32 s4, s2  }
0x4: {  	s23 =	simm.s32 $0x2;
	_ =	strace $0x80000047;
	s4 =	sadd.s32 $0x1F600, s4  }
0x5: {  	[tilespmem:s3], [sflag:$0x2] =	stream.linear.gather [hbm4b:s4+s3], $0x800, $0x38;
	[tilespmem:$0x1080] =	vst v63  }
0x6: {  	_ =	swait.ge [sflag:s23], $0x800  }
0x7: {  	s6 =	simm.s32 $0x800;
	[sflag:s23] =	ssyncset.done $0x0  }
0x8: {  	s5 =	sadd.s32 $0xC00, s2;
	s4 =	simm.s32 $0x80;
	[sflag:s23] =	ssyncadd.s32 $0xFFFFF800  }
0x9: {  	[tilespmem:s6], [sflag:$0x1] =	stream.indirect.gather [hbm4b:s5+s4], $0x1, s3, s4, $0xb8;
	[tilespmem:$0x1080] =	vst v63  }
0xa: {  	s24 =	simm.s32 $0x880  }
0xb: {  	[tilespmem:s24], [sflag:$0x1] =	stream.indirect.gather [hbm4b:s5+s4], $0x1, s4, s4, $0xb8;
	[tilespmem:$0x1080] =	vst v63  }
0xc: {  	s25 =	simm.s32 $0x100;
	s26 =	simm.s32 $0x900  }
0xd: {  	[tilespmem:s26], [sflag:$0x1] =	stream.indirect.gather [hbm4b:s5+s4], $0x1, s25, s4, $0xb8;
	[tilespmem:$0x1080] =	vst v63  }
0xe: {  	s28 =	simm.s32 $0x180;
	s29 =	simm.s32 $0x980  }
0xf: {  	[tilespmem:s29], [sflag:$0x1] =	stream.indirect.gather [hbm4b:s5+s4], $0x1, s28, s4, $0xb8;
	[tilespmem:$0x1080] =	vst v63  }
0x10: {  	s30 =	simm.s32 $0x200;
	s31 =	simm.s32 $0xA00  }
0x11: {  	[tilespmem:s31], [sflag:$0x1] =	stream.indirect.gather [hbm4b:s5+s4], $0x1, s30, s4, $0xb8;
	[tilespmem:$0x1080] =	vst v63  }
0x12: {  	s7 =	simm.s32 $0x280;
	s8 =	simm.s32 $0xA80  }
0x13: {  	[tilespmem:s8], [sflag:$0x1] =	stream.indirect.gather [hbm4b:s5+s4], $0x1, s7, s4, $0xb8;
	[tilespmem:$0x1080] =	vst v63  }
0x14: {  	s9 =	simm.s32 $0x300;
	s10 =	simm.s32 $0xB00  }
0x15: {  	[tilespmem:s10], [sflag:$0x1] =	stream.indirect.gather [hbm4b:s5+s4], $0x1, s9, s4, $0xb8;
	[tilespmem:$0x1080] =	vst v63  }
0x16: {  	s11 =	simm.s32 $0x380;
	s12 =	simm.s32 $0xB80  }
0x17: {  	[tilespmem:s12], [sflag:$0x1] =	stream.indirect.gather [hbm4b:s5+s4], $0x1, s11, s4, $0xb8;
	[tilespmem:$0x1080] =	vst v63  }
0x18: {  	s13 =	simm.s32 $0x400;
	s14 =	simm.s32 $0xC00  }
0x19: {  	[tilespmem:s14], [sflag:$0x1] =	stream.indirect.gather [hbm4b:s5+s4], $0x1, s13, s4, $0xb8;
	[tilespmem:$0x1080] =	vst v63  }
0x1a: {  	s15 =	simm.s32 $0x480;
	s16 =	simm.s32 $0xC80  }
0x1b: {  	[tilespmem:s16], [sflag:$0x1] =	stream.indirect.gather [hbm4b:s5+s4], $0x1, s15, s4, $0xb8;
	[tilespmem:$0x1080] =	vst v63  }
0x1c: {  	s17 =	simm.s32 $0x500;
	s18 =	simm.s32 $0xD00  }
0x1d: {  	[tilespmem:s18], [sflag:$0x1] =	stream.indirect.gather [hbm4b:s5+s4], $0x1, s17, s4, $0xb8;
	[tilespmem:$0x1080] =	vst v63  }
0x1e: {  	s19 =	simm.s32 $0x580;
	s20 =	simm.s32 $0xD80  }
0x1f: {  	[tilespmem:s20], [sflag:$0x1] =	stream.indirect.gather [hbm4b:s5+s4], $0x1, s19, s4, $0xb8;
	[tilespmem:$0x1080] =	vst v63  }
0x20: {  	s21 =	simm.s32 $0x600;
	s22 =	simm.s32 $0xE00  }
0x21: {  	[tilespmem:s22], [sflag:$0x1] =	stream.indirect.gather [hbm4b:s5+s4], $0x1, s21, s4, $0xb8;
	[tilespmem:$0x1080] =	vst v63  }
0x22: {  	s23 =	simm.s32 $0x680;
	s24 =	simm.s32 $0xE80  }
0x23: {  	[tilespmem:s24], [sflag:$0x1] =	stream.indirect.gather [hbm4b:s5+s4], $0x1, s23, s4, $0xb8;
	[tilespmem:$0x1080] =	vst v63  }
0x24: {  	s25 =	simm.s32 $0x700;
	s26 =	simm.s32 $0xF00  }
0x25: {  	[tilespmem:s26], [sflag:$0x1] =	stream.indirect.gather [hbm4b:s5+s4], $0x1, s25, s4, $0xb8;
	[tilespmem:$0x1080] =	vst v63  }
0x26: {  	s28 =	simm.s32 $0x780;
	s29 =	simm.s32 $0xF80;
	s30 =	simm.s32 $0x1  }
0x27: {  	[tilespmem:s29], [sflag:$0x1] =	stream.indirect.gather [hbm4b:s5+s4], $0x1, s28, s4, $0xb8;
	[tilespmem:$0x1080] =	vst v63  }
0x28: {  	_ =	swait.ge [sflag:s30], $0x80  }
0x29: {  	[sflag:s30] =	ssyncset.done $0x0  }
0x2a: {  	[sflag:s30] =	ssyncadd.s32 $0xFFFFFF80  }
0x2b: {  	_ =	swait.ge [sflag:s30], $0x80  }
0x2c: {  	[sflag:s30] =	ssyncset.done $0x0  }
0x2d: {  	[sflag:s30] =	ssyncadd.s32 $0xFFFFFF80  }
0x2e: {  	_ =	swait.ge [sflag:s30], $0x80  }
0x2f: {  	[sflag:s30] =	ssyncset.done $0x0  }
0x30: {  	[sflag:s30] =	ssyncadd.s32 $0xFFFFFF80  }
0x31: {  	_ =	swait.ge [sflag:s30], $0x80  }
0x32: {  	[sflag:s30] =	ssyncset.done $0x0  }
0x33: {  	[sflag:s30] =	ssyncadd.s32 $0xFFFFFF80  }
0x34: {  	_ =	swait.ge [sflag:s30], $0x80  }
0x35: {  	[sflag:s30] =	ssyncset.done $0x0  }
0x36: {  	[sflag:s30] =	ssyncadd.s32 $0xFFFFFF80  }
0x37: {  	_ =	swait.ge [sflag:s30], $0x80  }
0x38: {  	[sflag:s30] =	ssyncset.done $0x0  }
0x39: {  	[sflag:s30] =	ssyncadd.s32 $0xFFFFFF80  }
0x3a: {  	_ =	swait.ge [sflag:s30], $0x80  }
0x3b: {  	[sflag:s30] =	ssyncset.done $0x0  }
0x3c: {  	[sflag:s30] =	ssyncadd.s32 $0xFFFFFF80  }
0x3d: {  	_ =	swait.ge [sflag:s30], $0x80  }
0x3e: {  	[sflag:s30] =	ssyncset.done $0x0  }
0x3f: {  	[sflag:s30] =	ssyncadd.s32 $0xFFFFFF80  }
0x40: {  	_ =	swait.ge [sflag:s30], $0x80  }
0x41: {  	[sflag:s30] =	ssyncset.done $0x0  }
0x42: {  	[sflag:s30] =	ssyncadd.s32 $0xFFFFFF80  }
0x43: {  	_ =	swait.ge [sflag:s30], $0x80  }
0x44: {  	[sflag:s30] =	ssyncset.done $0x0  }
0x45: {  	[sflag:s30] =	ssyncadd.s32 $0xFFFFFF80  }
0x46: {  	_ =	swait.ge [sflag:s30], $0x80  }
0x47: {  	[sflag:s30] =	ssyncset.done $0x0  }
0x48: {  	[sflag:s30] =	ssyncadd.s32 $0xFFFFFF80  }
0x49: {  	_ =	swait.ge [sflag:s30], $0x80  }
0x4a: {  	[sflag:s30] =	ssyncset.done $0x0  }
0x4b: {  	[sflag:s30] =	ssyncadd.s32 $0xFFFFFF80  }
0x4c: {  	_ =	swait.ge [sflag:s30], $0x80  }
0x4d: {  	[sflag:s30] =	ssyncset.done $0x0  }
0x4e: {  	[sflag:s30] =	ssyncadd.s32 $0xFFFFFF80  }
0x4f: {  	_ =	swait.ge [sflag:s30], $0x80  }
0x50: {  	[sflag:s30] =	ssyncset.done $0x0  }
0x51: {  	[sflag:s30] =	ssyncadd.s32 $0xFFFFFF80  }
0x52: {  	_ =	swait.ge [sflag:s30], $0x80  }
0x53: {  	[sflag:s30] =	ssyncset.done $0x0  }
0x54: {  	[sflag:s30] =	ssyncadd.s32 $0xFFFFFF80  }
0x55: {  	_ =	swait.ge [sflag:s30], $0x80  }
0x56: {  	[sflag:s30] =	ssyncset.done $0x0  }
0x57: {  	s31 =	simm.s32 $0x0;
	[sflag:s30] =	ssyncadd.s32 $0xFFFFFF80  }
0x58: {  	v2 =	vld [tilespmem:s31+$0x800]  }
0x59: {  	v0 =	vlaneseq.u32;
	s3 =	sshll.u32 s1, $0xB  }
0x5a: {  	v1 =	vor.u32 s3, v0  }
0x5b: {  	v3 =	vand.u32 $0x7FF, v1  }
0x5c: {  	s2 =	sadd.s32 $0x20600, s2;
	v1 =	vimm.f32 $0.0e+00;
	vm0 =	veq.s32 v3, $0x7FF;
	s4 =	simm.s32 $0x40  }
.LBB2_1:
0x5d: {  	s5 =	sshra.s32 s4, $0x2;
	p0 =	sne.s32 s4, $0x1FC0;
	s4 =	sadd.s32 $0x40, s4;
	v3 =	vsel vm0, $0x0, v2  }
.Ltmp0:
0x5e: {  	v2 =	vld [tilespmem:s5+$0x800];
	v1 =	vadd.f32 v3, v1;
	(pc) =	sbr.rel @p0 .LBB2_1-.Ltmp0, $4  }
0x5f: {  	s3 =	sadd.s32 $0x10, s3  }
0x60: {  	v3 =	vor.u32 s3, v0  }
0x61: {  	v3 =	vand.u32 $0x7FF, v3  }
0x62: {  	vm0 =	veq.s32 v3, $0x7FF  }
0x63: {  	v0 =	vsel vm0, $0x0, v2  }
0x64: {  	v0 =	vadd.f32 v0, v1  }
0x65: {  	s3 =	sshll.u32 s1, $0x4;
	s30 =	simm.s32 $0x0  }
0x66: {  	s4 =	simm.s32 $0x1000;
	s31 =	simm.s32 $0x2;
	s2 =	sadd.s32 s2, s3;
	[tilespmem:$0x1000] =	vst v0  }
0x67: {  	[hbm4b:s2+s30] =	stream.linear.scatter [tilespmem:s4], [sflag:$0x2], $0x80, $0x38;
	[tilespmem:$0x1080] =	vst v63  }
0x68: {  	_ =	swait.ge [sflag:s31], $0x80  }
0x69: {  	[sflag:s31] =	ssyncset.done $0x0  }
0x6a: {  	[sflag:s31] =	ssyncadd.s32 $0xFFFFFF80  }
0x6b: {  	_ =	sfence.sel $0x180000  }
0x6c: {  	[bflag:$0x0] =	sbarrier.arrive $0xFFFF  }
0x6d: {  	p0 =	sne.s32 s1, $0x0;
	_ =	strace $0x90000047  }
0x6e: {  	s0 =	sadd.s32 @!p0 $0x100000, s0;
	[bflag:$0x2] =	sbarrier.arrive $0xFFFF  }
0x6f: {  	[sflag:s0] =	ssyncadd.tile.s32 @!p0 $0x1;
	_ =	shalt  }
.Lfunc_end2:
_tile_overlayer_lowered:
.L_overlay_start_2:
0x70: {  	(tag) =	ssettag $0x2  }
0x71: {  	s0 =	rddreg [dreg:$0x0];
	s2 =	stileid.u32  }
0x72: {  	s1 =	rddreg [dreg:$0x1];
	p0 =	sne.s32 s2, $0x0  }
0x73: {  	s3 =	rddreg [dreg:$0x2];
	[bflag:$0x3] =	sbarrier.arrive $0xFFFF;
	s2 =	simm.s32 @!p0 $0x1C02  }
0x74: {  	[timem:s3], [sflag:s2] =	dma.local @!p0 [hbm:s0], s1  }
0x75: {  	s0 =	simm.s32 @!p0 $0x2  }
0x76: {  	_ =	swait.ge @!p0 [sflag:s0], s1  }
0x77: {  	s1 =	ssub.s32 @!p0 $0x0, s1;
	[sflag:s0] =	ssyncset.done @!p0 $0x0  }
0x78: {  	[sflag:s0] =	ssyncadd.s32 @!p0 s1  }
0x79: {  	[bflag:$0x3] =	sbarrier.arrive $0xFFFF  }
0x7a: {  	_ =	shalt  }

</sc_bundles>
